<compile_context>
chip_gen: v7x
topology: tpu7x:2x2x1
jax: 0.10.2.dev20260603
libtpu: 0.0.44.dev20260713+nightly
codegen_flags: <defaults>
</compile_context>

<pallas_src>
import functools

import jax
import jax.numpy as jnp
from jax import lax
from jax.experimental import pallas as pl
from jax.experimental.pallas import tpu as pltpu
from jax.experimental.pallas import tpu_sc as plsc

_NUM_NODES = 2000
_DIM = 3
_N_DOF = _NUM_NODES * _DIM
_N_UNC = 5400
_N_SLAVE_DOF = 600
_NUM_WORKERS = 16
_CHUNK = 384
_LAST_BASE = _N_DOF - _CHUNK
_WIN = 600

_mesh = plsc.VectorSubcoreMesh(core_axis_name="c", subcore_axis_name="s", num_cores=1)


@functools.partial(
    pl.kernel,
    mesh=_mesh,
    out_type=jax.ShapeDtypeStruct((_N_DOF,), jnp.float32),
    scratch_types=[
        pltpu.VMEM((_WIN,), jnp.float32),
        pltpu.VMEM((_CHUNK,), jnp.float32),
        pltpu.VMEM((_CHUNK,), jnp.float32),
        pltpu.SemaphoreType.DMA,
        pltpu.SemaphoreType.DMA,
    ],
    compiler_params=pltpu.CompilerParams(
        needs_layout_passes=False,
        disable_bounds_checks=True,
        disable_semaphore_checks=True,
        skip_device_barrier=True,
        use_tc_tiling_on_sc=False,
    ),
)
def _gather_add(uu_hbm, st_hbm, out_hbm, uu_v, st_v, out_v, sem_uu, sem_st):
    wid = lax.axis_index("s") + lax.axis_index("c")
    base = jnp.minimum(wid * _CHUNK, _LAST_BASE)
    w0 = pl.multiple_of(jnp.clip(base - _N_SLAVE_DOF, 0, _N_UNC - _WIN), 8)
    cp_uu = pltpu.async_copy(uu_hbm.at[pl.ds(w0, _WIN)], uu_v, sem_uu)
    cp_st = pltpu.async_copy(st_hbm.at[pl.ds(base, _CHUNK)], st_v, sem_st)
    lane = lax.iota(jnp.int32, 16)
    cp_uu.wait()
    cp_st.wait()

    def _block(i, carry):
        off = pl.multiple_of(i * 16, 16)
        idx = base + off + lane
        col = jnp.where(idx < _N_SLAVE_DOF, idx, idx - _N_SLAVE_DOF)
        vals = plsc.load_gather(uu_v, [col - w0])
        out_v[pl.ds(off, 16)] = vals + st_v[pl.ds(off, 16)]
        return carry

    lax.fori_loop(0, _CHUNK // 16, _block, 0)
    pltpu.sync_copy(out_v, out_hbm.at[pl.ds(base, _CHUNK)])


def kernel(Uu, T, s_tilde):
    del T
    return _gather_add(Uu, s_tilde).reshape(_NUM_NODES, _DIM)

# --- scband reference (transcript-rebuilt; emitter-appended) ---
"""Pipeline reference for scband-dof-manager-mpc-53145925321152 (READ-ONLY COPY).

The authoritative reference and input builder live on the scoring server;
editing this copy changes nothing except your own understanding.
"""

import jax, jax.numpy as jnp
import numpy as np

NUM_NODES = 2000
DIM = 3
NUM_SLAVE = 200


def _build_mpc():
    n_dof = NUM_NODES * DIM
    is_slave = np.zeros((NUM_NODES, DIM), dtype=bool)
    slave_nodes = np.arange(NUM_SLAVE)
    master_nodes = np.arange(NUM_SLAVE, 2 * NUM_SLAVE)
    is_slave[slave_nodes, :] = True
    is_unconstrained = ~is_slave
    ids = np.arange(n_dof).reshape(NUM_NODES, DIM)
    unconstrained_indices = ids[is_unconstrained]
    n_unc = unconstrained_indices.size
    dof_to_unknown = np.full(n_dof, -1, dtype=np.int64)
    dof_to_unknown[unconstrained_indices] = np.arange(n_unc)
    # T: identity rows for unconstrained dofs, master-column 1.0 for slave dofs
    T = np.zeros((n_dof, n_unc), dtype=np.float32)
    T[unconstrained_indices, np.arange(n_unc)] = 1.0
    s_tilde = np.zeros(n_dof, dtype=np.float32)
    rng = np.random.default_rng(0)
    s_vals = (rng.standard_normal(NUM_SLAVE * DIM) * 0.01).astype(np.float32)
    for i in range(NUM_SLAVE):
        sn = slave_nodes[i]
        mn = master_nodes[i]
        for d in range(DIM):
            slave_dof = sn * DIM + d
            master_dof = mn * DIM + d
            reduced_master_index = dof_to_unknown[master_dof]
            T[slave_dof, reduced_master_index] = 1.0
            s_tilde[slave_dof] = s_vals[i * DIM + d]
    return jnp.asarray(T), jnp.asarray(s_tilde), n_unc


def setup_inputs(seed: int = 0) -> dict:
    key = jax.random.key(seed)
    T, s_tilde, n_unc = _build_mpc()
    Uu = jax.random.normal(key, (n_unc,), dtype=jnp.float32)
    return {"Uu": Uu, "T": T, "s_tilde": s_tilde}


def reference(Uu, T, s_tilde):
    # DofManagerMPC.create_field: U_flat = T @ Uu + s_tilde, reshaped to fieldShape
    U_flat = jnp.matmul(T, Uu) + s_tilde
    return U_flat.reshape(NUM_NODES, DIM)

if __name__ == "__main__":
    import jax
    _d = setup_inputs()
    print(jax.jit(kernel)(*tuple(_d.values())))

</pallas_src>

<mosaic_0001>
#map = affine_map<(d0, d1) -> (0)>
module attributes {stable_mosaic.version = 14 : i64} {
  func.func @_gather_add(%arg0: i32, %arg1: i32, %arg2: memref<5400xf32, #tpu.memory_space<hbm>>, %arg3: memref<6000xf32, #tpu.memory_space<hbm>>, %arg4: memref<6000xf32, #tpu.memory_space<hbm>>, %arg5: memref<600xf32, #tpu.memory_space<vmem>>, %arg6: memref<384xf32, #tpu.memory_space<vmem>>, %arg7: memref<384xf32, #tpu.memory_space<vmem>>, %arg8: memref<!tpu.dma_semaphore, #tpu.memory_space<semaphore_mem>>, %arg9: memref<!tpu.dma_semaphore, #tpu.memory_space<semaphore_mem>>) attributes {dimension_semantics = [#tpu.dimension_semantics<core_parallel>, #tpu.dimension_semantics<subcore_parallel>], iteration_bounds = array<i64: 1, 16>, scalar_prefetch = 0 : i64, scratch_operands = 5 : i64, tpu.core_type = #tpu.core_type<sc_vector_subcore>, window_params = [{transform_indices = #map}, {transform_indices = #map}, {transform_indices = #map}]} {
    %add3A = arith.addi %arg1, %arg0 : i32
    %mul3A = arith.constant 384 : i32
    %mul3A_0 = arith.muli %add3A, %mul3A : i32
    %min3A = arith.constant 5616 : i32
    %min3A_1 = arith.minsi %mul3A_0, %min3A : i32
    %sub3A = arith.constant 600 : i32
    %sub3A_2 = arith.subi %min3A_1, %sub3A : i32
    %jit3A = arith.constant 0 : i32
    %jit3A_3 = arith.constant 4800 : i32
    %max3A = arith.maxsi %jit3A, %sub3A_2 : i32
    %min3A_4 = arith.minsi %jit3A_3, %max3A : i32
    %multiple_of3A = tpu.assume_multiple %min3A_4, 8 : i32
    %dma_start3A = tpu.memref_slice %arg2[%multiple_of3A] : memref<5400xf32, #tpu.memory_space<hbm>> -> memref<600xf32, #tpu.memory_space<hbm>>
    %dma_start3A_5 = tpu.memref_slice %arg2[%multiple_of3A] : memref<5400xf32, #tpu.memory_space<hbm>> -> memref<600xf32, #tpu.memory_space<hbm>>
    tpu.enqueue_dma source(%dma_start3A_5 : memref<600xf32, #tpu.memory_space<hbm>>) target(%arg5 : memref<600xf32, #tpu.memory_space<vmem>>) target_semaphore(%arg8 : memref<!tpu.dma_semaphore, #tpu.memory_space<semaphore_mem>>)
    %dma_start3A_6 = tpu.memref_slice %arg3[%min3A_1] : memref<6000xf32, #tpu.memory_space<hbm>> -> memref<384xf32, #tpu.memory_space<hbm>>
    %dma_start3A_7 = tpu.memref_slice %arg3[%min3A_1] : memref<6000xf32, #tpu.memory_space<hbm>> -> memref<384xf32, #tpu.memory_space<hbm>>
    tpu.enqueue_dma source(%dma_start3A_7 : memref<384xf32, #tpu.memory_space<hbm>>) target(%arg6 : memref<384xf32, #tpu.memory_space<vmem>>) target_semaphore(%arg9 : memref<!tpu.dma_semaphore, #tpu.memory_space<semaphore_mem>>)
    %iota3A = tpu.iota {dimensions = array<i32: 0>} : vector<16xi32>
    %dma_wait3A = tpu.memref_slice %arg2[%multiple_of3A] : memref<5400xf32, #tpu.memory_space<hbm>> -> memref<600xf32, #tpu.memory_space<hbm>>
    %dma_wait3A_8 = tpu.memref_slice %arg2[%multiple_of3A] : memref<5400xf32, #tpu.memory_space<hbm>> -> memref<600xf32, #tpu.memory_space<hbm>>
    tpu.wait_dma2 semaphore(%arg8 : memref<!tpu.dma_semaphore, #tpu.memory_space<semaphore_mem>>) src(%dma_wait3A_8 : memref<600xf32, #tpu.memory_space<hbm>>) dst(%arg5 : memref<600xf32, #tpu.memory_space<vmem>>)
    %dma_wait3A_9 = tpu.memref_slice %arg3[%min3A_1] : memref<6000xf32, #tpu.memory_space<hbm>> -> memref<384xf32, #tpu.memory_space<hbm>>
    %dma_wait3A_10 = tpu.memref_slice %arg3[%min3A_1] : memref<6000xf32, #tpu.memory_space<hbm>> -> memref<384xf32, #tpu.memory_space<hbm>>
    tpu.wait_dma2 semaphore(%arg9 : memref<!tpu.dma_semaphore, #tpu.memory_space<semaphore_mem>>) src(%dma_wait3A_10 : memref<384xf32, #tpu.memory_space<hbm>>) dst(%arg6 : memref<384xf32, #tpu.memory_space<vmem>>)
    %scan3A = arith.constant 0 : i32
    %scan3A_11 = arith.constant 0 : i32
    %scan3A_12 = arith.constant 24 : i32
    %scan3A_13 = arith.addi %scan3A_11, %scan3A_12 : i32
    %scan3A_14 = arith.constant 1 : i32
    scf.for %scan3A_16 = %scan3A_11 to %scan3A_13 step %scan3A_14  : i32 {
      %mul3A_17 = arith.constant 16 : i32
      %mul3A_18 = arith.muli %scan3A_16, %mul3A_17 : i32
      %multiple_of3A_19 = tpu.assume_multiple %mul3A_18, 16 : i32
      %add3A_20 = arith.addi %min3A_1, %multiple_of3A_19 : i32
      %add3A_21 = vector.broadcast %add3A_20 : i32 to vector<16xi32>
      %add3A_22 = arith.addi %add3A_21, %iota3A : vector<16xi32>
      %lt3A = arith.constant 600 : i32
      %lt3A_23 = vector.broadcast %lt3A : i32 to vector<16xi32>
      %lt3A_24 = arith.cmpi slt, %add3A_22, %lt3A_23 : vector<16xi32>
      %sub3A_25 = arith.constant 600 : i32
      %sub3A_26 = vector.broadcast %sub3A_25 : i32 to vector<16xi32>
      %sub3A_27 = arith.subi %add3A_22, %sub3A_26 : vector<16xi32>
      %select_n3A = arith.select %lt3A_24, %add3A_22, %sub3A_27 : vector<16xi1>, vector<16xi32>
      %sub3A_28 = vector.broadcast %multiple_of3A : i32 to vector<16xi32>
      %sub3A_29 = arith.subi %select_n3A, %sub3A_28 : vector<16xi32>
      %gather3A = tpu.vector_load_idx %arg5[%sub3A_29] : memref<600xf32, #tpu.memory_space<vmem>>[vector<16xi32>], vector<16xf32>,
      %get3A = arith.index_cast %multiple_of3A_19 : i32 to index
      %get3A_30 = tpu.vector_load %arg6[%get3A] {strides = array<i32>} : memref<384xf32, #tpu.memory_space<vmem>>, vector<16xf32>,
      %add3A_31 = arith.addf %gather3A, %get3A_30 : vector<16xf32>
      %swap3A = arith.index_cast %multiple_of3A_19 : i32 to index
      %swap3A_32 = tpu.vector_load %arg7[%swap3A] {strides = array<i32>} : memref<384xf32, #tpu.memory_space<vmem>>, vector<16xf32>,
      tpu.vector_store %arg7[%swap3A], %add3A_31 {strides = array<i32>} : memref<384xf32, #tpu.memory_space<vmem>>, vector<16xf32>,
    }
    %scan3A_15 = arith.constant 24 : i32
    "tpu.region"() ({
      %run_scoped3A = tpu.sem_alloc : memref<!tpu.dma_semaphore, #tpu.memory_space<semaphore_mem>>
      %dma_start3A_16 = tpu.memref_slice %arg4[%min3A_1] : memref<6000xf32, #tpu.memory_space<hbm>> -> memref<384xf32, #tpu.memory_space<hbm>>
      %dma_start3A_17 = tpu.memref_slice %arg4[%min3A_1] : memref<6000xf32, #tpu.memory_space<hbm>> -> memref<384xf32, #tpu.memory_space<hbm>>
      tpu.enqueue_dma source(%arg7 : memref<384xf32, #tpu.memory_space<vmem>>) target(%dma_start3A_17 : memref<384xf32, #tpu.memory_space<hbm>>) target_semaphore(%run_scoped3A : memref<!tpu.dma_semaphore, #tpu.memory_space<semaphore_mem>>)
      %dma_wait3A_18 = tpu.memref_slice %arg4[%min3A_1] : memref<6000xf32, #tpu.memory_space<hbm>> -> memref<384xf32, #tpu.memory_space<hbm>>
      %dma_wait3A_19 = tpu.memref_slice %arg4[%min3A_1] : memref<6000xf32, #tpu.memory_space<hbm>> -> memref<384xf32, #tpu.memory_space<hbm>>
      tpu.wait_dma2 semaphore(%run_scoped3A : memref<!tpu.dma_semaphore, #tpu.memory_space<semaphore_mem>>) src(%arg7 : memref<384xf32, #tpu.memory_space<vmem>>) dst(%dma_wait3A_19 : memref<384xf32, #tpu.memory_space<hbm>>)
      tpu.yield
    }) : () -> ()
    return
  }
}

</mosaic_0001>

<sc_bundles>
// kernel: kernel.3.cloned.1.call-start
scs
__scs_entry_jumppad:
0x0: {  	(pc) =	sbr.rel $0x88, $3  }
0x1: {  	(tag) =	ssettag $0x0;
	lr =	simm.s32 $0x1  }
0x2: {  	[smem:$0x3F9F] =	sst lr;
	_ =	strace $0xD0000000  }
0x3: {  	_ = 	snop  }
0x4: {  	_ = 	snop  }
0x5: {  	_ = 	snop  }
0x6: {  	_ = 	snop  }
0x7: {  	_ = 	snop  }
__scs_overlays_trampoline_lowered:
0x8: {  	[smem:$0x3FAE] =	sst s0  }
0x9: {  	[smem:$0x3FAF] =	sst s1  }
0xa: {  	[smem:$0x3FB0] =	sst s2  }
0xb: {  	[smem:$0x3FB1] =	sst s3  }
0xc: {  	[smem:$0x3FB2] =	sst s4  }
0xd: {  	[smem:$0x3FB3] =	sst s5  }
0xe: {  	[smem:$0x3FB4] =	sst s6  }
0xf: {  	[smem:$0x3FB5] =	sst s7  }
0x10: {  	[smem:$0x3FB6] =	sst s8  }
0x11: {  	[smem:$0x3FB7] =	sst s9;
	s0 =	simm.s32 @!p0 $0x0  }
0x12: {  	s1 =	sld [smem:$0x3F9D];
	s0 =	simm.s32 @p0 $0x1  }
0x13: {  	[smem:$0x3FB8] =	sst s0;
	s0 =	simm.s32 @!p1 $0x0  }
0x14: {  	s2 =	sld [smem:$0x3F9C];
	s0 =	simm.s32 @p1 $0x1  }
0x15: {  	[smem:$0x3FB9] =	sst s0;
	s0 =	simm.s32 @!p2 $0x0  }
0x16: {  	s3 =	sld [smem:$0x3FDB];
	s0 =	simm.s32 @p2 $0x1  }
0x17: {  	s4 =	simm.s32 $0x1BF5;
	[smem:$0x3FBB] =	sst s0  }
0x18: {  	s0 =	sld [smem:$0x3F9E];
	_ =	swait.ge [sflag:s4], $0x0  }
0x19: {  	s7 =	sld [smem:$0x3F9F]  }
0x1a: {  	s8 =	sadd.s32 $0xFFFFE003, lr  }
0x1b: {  	s9 =	sadd.s32 $0xFFFFFEF7, lr;
	s5 =	simm.s32 $0xFFFFFFFF;
	p2 =	slt.u32 s8, $0xFFFFF086  }
0x1c: {  	p1 =	slt.u32 s9, $0xF7A;
	s5 =	simm.s32 @!p2 $0x0  }
0x1d: {  	s5 =	simm.s32 @p1 $0x1;
	p0 =	seq.s32 s7, s2  }
0x1e: {  	s7 =	smul.u32 @!p0 $0xF7A, s2;
	p2 =	seq.s32 @!p0 s5, $0x0  }
0x1f: {  	s9 =	smul.u32 $0xF7A, s1;
	s8 =	simm.s32 @!p0 $0x1BF5;
	p2 =	por !p2, p0  }
0x20: {  	[sflag:s8] =	ssyncset.s32 @!p0 $0xFFFFF086;
	s6 =	sadd.s32 @!p0 s3, s7;
	s7 =	simm.s32 @!p0 $0x108  }
0x21: {  	s3 =	sadd.s32 s3, s9;
	s6 =	sadd.s32 @!p0 $0x88, s6;
	s7 =	simm.s32 @p2 $0x1082  }
0x22: {  	[simem:s7], [sflag:s8] =	dma.local @!p0 [hbm:s6], $0xF7A  }
0x23: {  	s9 =	sor.u32 $0xD0000000, s2;
	s6 =	simm.s32 $0x108;
	_ =	swait.ge @!p0 [sflag:s8], $0x0  }
0x24: {  	s3 =	sadd.s32 $0x88, s3;
	s6 =	simm.s32 @!p1 $0x1082;
	[sflag:s4] =	ssyncset.s32 $0xFFFFF086  }
0x25: {  	[simem:s6], [sflag:s4] =	dma.local [hbm:s3], $0xF7A  }
0x26: {  	[smem:$0x3F9F] =	sst s1;
	(tag) =	ssettag s2;
	_ =	strace s9  }
0x27: {  	s1 =	sld [smem:$0x3FAF]  }
0x28: {  	s2 =	sld [smem:$0x3FB0]  }
0x29: {  	s4 =	sld [smem:$0x3FB2]  }
0x2a: {  	p0 =	seq.s32 s5, $0x0;
	s5 =	sld [smem:$0x3FB3]  }
0x2b: {  	s6 =	sld [smem:$0x3FB4]  }
0x2c: {  	s7 =	sld [smem:$0x3FB5]  }
0x2d: {  	s3 =	simm.s32 $0x108;
	s8 =	sld [smem:$0x3FB6]  }
0x2e: {  	s3 =	simm.s32 @!p0 $0x1082;
	s9 =	sld [smem:$0x3FB7]  }
0x2f: {  	lr =	sadd.s32 s0, s3;
	s0 =	sld [smem:$0x3FAE]  }
0x30: {  	s3 =	sld [smem:$0x3FB1]  }
0x31: {  	[smem:$0x3FBA] =	sst s10  }
0x32: {  	s10 =	sld [smem:$0x3FB8];
	_ =	sdelay $0x3  }
0x33: {  	p0 =	seq.s32 s10, $0x1;
	s10 =	sld [smem:$0x3FBA];
	_ =	sdelay $0x3  }
0x34: {  	[smem:$0x3FBA] =	sst s10  }
0x35: {  	s10 =	sld [smem:$0x3FB9];
	_ =	sdelay $0x3  }
0x36: {  	p1 =	seq.s32 s10, $0x1;
	s10 =	sld [smem:$0x3FBA];
	_ =	sdelay $0x3  }
0x37: {  	[smem:$0x3FBA] =	sst s10  }
0x38: {  	s10 =	sld [smem:$0x3FBB]  }
0x39: {  	_ = 	snop;
	(pc) =	sbr.ind lr, $3  }
0x3a: {  	_ = 	snop  }
0x3b: {  	_ = 	snop  }
0x3c: {  	p2 =	seq.s32 s10, $0x1;
	s10 =	sld [smem:$0x3FBA]  }
0x3d: {  	_ =	shalt  }
0x3e: {  	_ =	shalt  }
0x3f: {  	_ =	shalt  }
0x40: {  	_ =	shalt  }
0x41: {  	_ =	shalt  }
0x42: {  	_ =	shalt  }
0x43: {  	_ =	shalt  }
0x44: {  	_ =	shalt  }
0x45: {  	_ =	shalt  }
0x46: {  	_ =	shalt  }
0x47: {  	_ =	shalt  }
0x48: {  	_ =	shalt  }
0x49: {  	_ =	shalt  }
0x4a: {  	_ =	shalt  }
0x4b: {  	_ =	shalt  }
0x4c: {  	_ =	shalt  }
0x4d: {  	_ =	shalt  }
0x4e: {  	_ =	shalt  }
0x4f: {  	_ =	shalt  }
0x50: {  	_ =	shalt  }
0x51: {  	_ =	shalt  }
0x52: {  	_ =	shalt  }
0x53: {  	_ =	shalt  }
0x54: {  	_ =	shalt  }
0x55: {  	_ =	shalt  }
0x56: {  	_ =	shalt  }
0x57: {  	_ =	shalt  }
0x58: {  	_ =	shalt  }
0x59: {  	_ =	shalt  }
0x5a: {  	_ =	shalt  }
0x5b: {  	_ =	shalt  }
0x5c: {  	_ =	shalt  }
0x5d: {  	_ =	shalt  }
0x5e: {  	_ =	shalt  }
0x5f: {  	_ =	shalt  }
0x60: {  	_ =	shalt  }
0x61: {  	_ =	shalt  }
0x62: {  	_ =	shalt  }
0x63: {  	_ =	shalt  }
0x64: {  	_ =	shalt  }
0x65: {  	_ =	shalt  }
0x66: {  	_ =	shalt  }
0x67: {  	_ =	shalt  }
0x68: {  	_ =	shalt  }
0x69: {  	_ =	shalt  }
0x6a: {  	_ =	shalt  }
0x6b: {  	_ =	shalt  }
0x6c: {  	_ =	shalt  }
0x6d: {  	_ =	shalt  }
0x6e: {  	_ =	shalt  }
0x6f: {  	_ =	shalt  }
0x70: {  	_ =	shalt  }
0x71: {  	_ =	shalt  }
0x72: {  	_ =	shalt  }
0x73: {  	_ =	shalt  }
0x74: {  	_ =	shalt  }
0x75: {  	_ =	shalt  }
0x76: {  	_ =	shalt  }
0x77: {  	_ =	shalt  }
0x78: {  	_ =	shalt  }
0x79: {  	_ =	shalt  }
0x7a: {  	_ =	shalt  }
0x7b: {  	_ =	shalt  }
0x7c: {  	_ =	shalt  }
0x7d: {  	_ =	shalt  }
0x7e: {  	_ =	shalt  }
0x7f: {  	_ =	shalt  }
0x80: {  	_ =	shalt  }
0x81: {  	_ =	shalt  }
0x82: {  	_ =	shalt  }
0x83: {  	_ =	shalt  }
0x84: {  	_ =	shalt  }
0x85: {  	_ =	shalt  }
0x86: {  	_ =	shalt  }
0x87: {  	_ =	shalt  }
.Lfunc_end0:
.L_simem_size_0:
called_computation_lowered:
.L_overlay_start_0:
0x88: {  	s0 =	sld [smem:$0x3FD9]  }
0x89: {  	s1 =	sld [smem:$0x3FFE];
	_ =	sdelay $0x3  }
0x8a: {  	s0 =	sadd.s32 s1, s0  }
0x8b: {  	[smem:$0x3FC6] =	sst s0  }
0x8c: {  	_ = 	snop  }
0x8d: {  	s0 =	sld [smem:$0x3FC9]  }
0x8e: {  	s17 =	sld [smem:$0x3FC8]  }
0x8f: {  	s2 =	sld [smem:$0x3FD0];
	(tm) =	ssettm $0x1  }
0x90: {  	s3 =	sld [smem:$0x3FFB];
	_ =	sdelay $0x3  }
0x91: {  	_ =	strace s3  }
0x92: {  	s3 =	sld [smem:$0x3FFC];
	_ =	sdelay $0x3  }
0x93: {  	_ =	strace s3  }
0x94: {  	s3 =	sld [smem:$0x3FFD];
	_ =	sdelay $0x3  }
0x95: {  	_ =	strace s3  }
0x96: {  	_ =	strace $0x8FFFFFFF  }
0x97: {  	s18 =	sld [smem:$0x3FDB];
	_ =	sdelay $0x1  }
0x98: {  	s4 =	simm.s32 $_scs_section_size  }
0x99: {  	s5 =	simm.s32 $_size__tile_overlayer_lowered;
	s6 =	simm.s32 $_tile_overlayer_lowered  }
0x9a: {  	s21 =	simm.s32 $0x1BFF;
	s20 =	sshll.u32 s6, $0x1;
	s3 =	sadd.s32 s4, s18  }
0x9b: {  	s7 =	simm.s32 $0x0;
	s19 =	sshll.u32 s5, $0x1;
	s5 =	sadd.s32 s20, s3  }
0x9c: {  	[timem:s7], [sflag:s21] =	dma.local [hbm:s5], s19  }
0x9d: {  	_ =	swait.ge [sflag:s21], s19  }
0x9e: {  	s4 =	ssub.s32 $0x0, s19;
	[sflag:s21] =	ssyncset.done $0x0  }
0x9f: {  	[sflag:s21] =	ssyncadd.s32 s4;
	_ =	sdelay $0x1  }
0xa0: {  	s22 =	simm.s32 $0x1B8B  }
0xa1: {  	_ =	swait.ge [sflag:s22], $0x1  }
0xa2: {  	[sflag:s22] =	ssyncset.done $0x0  }
0xa3: {  	s23 =	simm.s32 $0x1B8E;
	[sflag:s22] =	ssyncadd.s32 $0xFFFFFFFF  }
0xa4: {  	s24 =	simm.s32 $execute0_lowered;
	[smem:$0x3FD2] =	sst s23  }
0xa5: {  	s4 =	sshll.u32 s24, $0x1;
	_ =	strace $0x80000046;
	[dreg:$0x1] =	wrdreg $0xFFFFFFFF  }
0xa6: {  	s25 =	simm.s32 $_size_execute0_lowered;
	s3 =	sadd.s32 s3, s4;
	[dreg:$0x0] =	wrdreg $0x0  }
0xa7: {  	s4 =	sshll.u32 s25, $0x1;
	[dreg:$0x2] =	wrdreg s3  }
0xa8: {  	[dreg:$0x3] =	wrdreg s4  }
0xa9: {  	[dreg:$0x4] =	wrdreg $0xC0  }
0xaa: {  	_ =	task [dreg:s7], $0x5FFFF  }
0xab: {  	[dreg:$0x1] =	wrdreg $0xFFFFFFFF  }
0xac: {  	[dreg:$0x0] =	wrdreg $0x60  }
0xad: {  	[dreg:$0x2] =	wrdreg s0  }
0xae: {  	[dreg:$0x3] =	wrdreg s17  }
0xaf: {  	[dreg:$0x4] =	wrdreg s2  }
0xb0: {  	[dreg:$0x5] =	wrdreg $0x9  }
0xb1: {  	_ =	task.clear_ibuf [dreg:s7], $0x6FFFF;
	_ =	strace $0x90000046  }
0xb2: {  	s26 =	simm.s32 $0x9;
	_ =	strace $0x80000048  }
0xb3: {  	_ =	swait.ge [sflag:s26], $0x1  }
0xb4: {  	[sflag:s26] =	ssyncadd.s32 $0xFFFFFFFF  }
0xb5: {  	_ =	strace $0x90000048  }
0xb6: {  	_ =	sfence  }
0xb7: {  	s28 =	sld [smem:$0x0];
	_ =	sdelay $0x1  }
0xb8: {  	s29 =	srdreg.scid  }
0xb9: {  	s30 =	sshll.u32 s29, $0xD;
	s31 =	sshrl.u32 s29, $0x2  }
0xba: {  	s1 =	sand.u32 $0x1, s29;
	s2 =	sand.u32 $0x4000, s30;
	s0 =	sadd.s32 s31, s28  }
0xbb: {  	s1 =	sor.u32 s2, s1;
	s0 =	sshll.u32 s0, $0x11  }
0xbc: {  	s0 =	sor.u32 s0, s1  }
0xbd: {  	s0 =	sadd.s32 $0x8F2B, s0  }
0xbe: {  	[sflag:s0] =	ssyncadd.remote.s32 $0x1  }
0xbf: {  	_ =	sfence.sel $0xFFFF  }
0xc0: {  	[dreg:$0x0] =	wrdreg $0xFFFFFFFF;
	(pc) =	sbr.abs _section_cstart, $3  }
0xc1: {  	[dreg:$0x1] =	wrdreg $0xFFFFFFFF  }
0xc2: {  	_ =	task.clear_ibuf [dreg:s7], $0x2FFFF;
	_ =	strace $0x9FFFFFFF  }
0xc3: {  	(tm) =	ssettm $0x7FFFFFFF  }
tec
execute0_lowered:
.L_overlay_start_1:
0x0: {  	(tag) =	ssettag $0x1  }
0x1: {  	s0 =	stileid.u32  }
0x2: {  	s1 =	smul.u32 $0x180, s0;
	_ =	sdelay $0x1  }
0x3: {  	s4 =	rddreg [dreg:$0x0];
	s5 =	smin.u32 s1, $0x15F0  }
0x4: {  	s6 =	rddreg [dreg:$0x1];
	s1 =	smax.u32 s5, $0x258  }
0x5: {  	s2 =	rddreg [dreg:$0x2];
	s3 =	simm.s32 $0x0;
	s7 =	smin.u32 s1, $0x1518  }
0x6: {  	[smem:$0x7FF] =	sst s3;
	s7 =	sadd.s32 $0xFFFFFDA8, s7  }
0x7: {  	s1 =	rddreg [dreg:$0x3];
	s8 =	sshrl.u32 s7, $0x3  }
0x8: {  	_ =	strace $0x80000047;
	s8 =	sadd.s32 s4, s8;
	s4 =	sshrl.u32 s5, $0x3  }
0x9: {  	v1 =	vlaneseq.u32;
	[tilespmem:s3], [sflag:$0x1] =	stream.linear.gather [hbm4b:s8+s3], $0x258, $0x38;
	[tilespmem:$0x558] =	vst v63  }
0xa: {  	s29 =	simm.s32 $0x258;
	s30 =	simm.s32 $0x1;
	v0 =	vadd.s32 $0xFFFFFDA8, v1;
	v3 =	vor.u32 s5, v1;
	s6 =	sadd.s32 s6, s4  }
0xb: {  	v4 =	vadd.s32 s5, v0;
	vm0 =	vlt.u32 v3, $0x258;
	[tilespmem:s29], [sflag:$0x2] =	stream.linear.gather [hbm4b:s6+s3], $0x180, $0x38;
	[tilespmem:$0x558] =	vst v63  }
0xc: {  	v3 =	vsel vm0, v3, v4;
	v2 =	vmov s7;
	_ =	swait.ge [sflag:s30], $0x258  }
0xd: {  	v3 =	vsub.s32 v3, v2;
	[sflag:s30] =	ssyncset.done $0x0  }
0xe: {  	s31 =	simm.s32 $0x2;
	[sflag:s30] =	ssyncadd.s32 $0xFFFFFDA8  }
0xf: {  	_ =	swait.ge [sflag:s31], $0x180  }
0x10: {  	[sflag:s31] =	ssyncset.done $0x0  }
0x11: {  	[sflag:s31] =	ssyncadd.s32 $0xFFFFFE80  }
0x12: {  	s7 =	sadd.s32 $0x10, s5;
	s6 =	simm.s32 $0x0;
	v3 =	vld.idx.msk [tilespmem:v3+s3+$0x0], $0xffff  }
0x13: {  	s5 =	simm.s32 $0x40;
	v5 =	vor.u32 s7, v1;
	s8 =	simm.s32 $0x80;
	v4 =	vld [tilespmem:s6+$0x258]  }
.LBB2_1:
0x14: {  	p0 =	sne.s32 s8, $0x5C0;
	vm0 =	vlt.u32 v5, $0x258;
	v6 =	vadd.s32 s7, v0  }
0x15: {  	v5 =	vsel vm0, v5, v6  }
0x16: {  	v5 =	vsub.s32 v5, v2;
	_ =	sdelay $0x1  }
.Ltmp0:
0x17: {  	v3 =	vadd.f32 v4, v3;
	(pc) =	sbr.rel @p0 .LBB2_1-.Ltmp0, $4  }
0x18: {  	_ = 	snop  }
0x19: {  	[tilespmem:s6+$0x3D8] =	vst v3  }
0x1a: {  	s7 =	sadd.s32 $0x10, s7;
	s6 =	sshra.s32 s5, $0x2;
	s5 =	smov.u32 s8;
	v3 =	vld.idx.msk [tilespmem:v5+s3+$0x0], $0xffff  }
0x1b: {  	s8 =	sadd.s32 $0x40, s8;
	v5 =	vor.u32 s7, v1;
	v4 =	vld [tilespmem:s6+$0x258]  }
0x1c: {  	vm0 =	vlt.u32 v5, $0x258;
	v0 =	vadd.s32 s7, v0  }
0x1d: {  	v0 =	vsel vm0, v5, v0  }
0x1e: {  	v0 =	vsub.s32 v0, v2;
	_ =	sdelay $0x1  }
0x1f: {  	v1 =	vadd.f32 v4, v3;
	_ =	sdelay $0x1  }
0x20: {  	[tilespmem:s6+$0x3D8] =	vst v1  }
0x21: {  	s28 =	sshra.s32 s5, $0x2;
	v0 =	vld.idx.msk [tilespmem:v0+s3+$0x0], $0xffff  }
0x22: {  	v1 =	vld [tilespmem:s28+$0x258];
	_ =	sdelay $0x4  }
0x23: {  	v0 =	vadd.f32 v1, v0  }
0x24: {  	s2 =	sadd.s32 s2, s4  }
0x25: {  	s29 =	simm.s32 $0x0;
	s30 =	simm.s32 $0x3D8;
	s31 =	simm.s32 $0x3;
	[tilespmem:s28+$0x3D8] =	vst v0  }
0x26: {  	[hbm4b:s2+s29] =	stream.linear.scatter [tilespmem:s30], [sflag:$0x3], $0x180, $0x38;
	[tilespmem:$0x558] =	vst v63  }
0x27: {  	_ =	swait.ge [sflag:s31], $0x180  }
0x28: {  	[sflag:s31] =	ssyncset.done $0x0  }
0x29: {  	[sflag:s31] =	ssyncadd.s32 $0xFFFFFE80  }
0x2a: {  	_ =	sfence.sel $0x180000  }
0x2b: {  	[bflag:$0x0] =	sbarrier.arrive $0xFFFF  }
0x2c: {  	p0 =	sne.s32 s0, $0x0;
	_ =	strace $0x90000047  }
0x2d: {  	s0 =	sadd.s32 @!p0 $0x100000, s1;
	[bflag:$0x2] =	sbarrier.arrive $0xFFFF  }
0x2e: {  	[sflag:s0] =	ssyncadd.tile.s32 @!p0 $0x1;
	_ =	shalt  }
.Lfunc_end2:
_tile_overlayer_lowered:
.L_overlay_start_2:
0x2f: {  	(tag) =	ssettag $0x2  }
0x30: {  	s0 =	rddreg [dreg:$0x0];
	s2 =	stileid.u32  }
0x31: {  	s1 =	rddreg [dreg:$0x1];
	p0 =	sne.s32 s2, $0x0  }
0x32: {  	s3 =	rddreg [dreg:$0x2];
	[bflag:$0x3] =	sbarrier.arrive $0xFFFF;
	s2 =	simm.s32 @!p0 $0x1C03  }
0x33: {  	[timem:s3], [sflag:s2] =	dma.local @!p0 [hbm:s0], s1  }
0x34: {  	s0 =	simm.s32 @!p0 $0x3  }
0x35: {  	_ =	swait.ge @!p0 [sflag:s0], s1  }
0x36: {  	s1 =	ssub.s32 @!p0 $0x0, s1;
	[sflag:s0] =	ssyncset.done @!p0 $0x0  }
0x37: {  	[sflag:s0] =	ssyncadd.s32 @!p0 s1  }
0x38: {  	[bflag:$0x3] =	sbarrier.arrive $0xFFFF  }
0x39: {  	_ =	shalt  }

</sc_bundles>
